<compile_context>
chip_gen: v7x
topology: tpu7x:2x2x1
jax: 0.10.2.dev20260603
libtpu: 0.0.44.dev20260713+nightly
codegen_flags: <defaults>
</compile_context>

<pallas_src>
import functools

import jax
import jax.numpy as jnp
from jax import lax
from jax.experimental import pallas as pl
from jax.experimental.pallas import tpu as pltpu
from jax.experimental.pallas import tpu_sc as plsc



def _make_sc_gather(b):
    info = plsc.get_sparse_core_info()
    nc, ns = info.num_cores, info.num_subcores
    nw = nc * ns
    chunk = 128
    n_chunks = b // chunk // nw

    mesh = plsc.VectorSubcoreMesh(core_axis_name="c", subcore_axis_name="s")

    @functools.partial(
        pl.kernel,
        out_type=jax.ShapeDtypeStruct((b // chunk, chunk, 128), jnp.float32),
        mesh=mesh,
        scratch_types=[
            pltpu.VMEM((n_chunks, chunk), jnp.int32),
            pltpu.VMEM((n_chunks, chunk, 20), jnp.float32),
            pltpu.VMEM((n_chunks, chunk, 128), jnp.float32),
            pltpu.SemaphoreType.DMA,
        ],
        compiler_params=pltpu.CompilerParams(use_tc_tiling_on_sc=False,
                                             needs_layout_passes=False),
    )
    def sc_gather(table_hbm, ids2_hbm, out_hbm, idx_v, rows20_v, rows128_v,
                  sem):
        wid = lax.axis_index("s") * nc + lax.axis_index("c")
        base = wid * n_chunks
        pltpu.sync_copy(ids2_hbm.at[pl.ds(base, n_chunks)], idx_v)
        copies = []
        for j in range(n_chunks):
            copies.append(
                pltpu.async_copy(table_hbm.at[idx_v.at[j]],
                                 rows20_v.at[j], sem))
        for c in copies:
            c.wait()

        lanes = lax.iota(jnp.int32, 16)
        lanes4 = lanes + 4

        def expand_row(r, carry):
            rr = jnp.full((16,), r, jnp.int32)
            for j in range(n_chunks):
                jj = jnp.full((16,), j, jnp.int32)
                x0 = plsc.load_gather(rows20_v, [jj, rr, lanes])
                x1 = plsc.load_gather(rows20_v, [jj, rr, lanes4])
                plsc.store_scatter(rows128_v, [jj, rr, lanes], x0)
                plsc.store_scatter(rows128_v, [jj, rr, lanes4], x1)
            return carry

        lax.fori_loop(0, chunk, expand_row, 0)
        pltpu.sync_copy(rows128_v, out_hbm.at[pl.ds(base, n_chunks)])

    return sc_gather



def _make_softmax_body(k):
    def body(logits_ref, w128_ref, w_ref):
        lg = logits_ref[...]
        lane = lax.broadcasted_iota(jnp.int32, lg.shape, 1)
        lgm = jnp.where(lane < k, lg, jnp.float32(-1e30))
        m = jnp.max(lgm, axis=-1, keepdims=True)
        e = jnp.exp(lgm - m)
        s = jnp.sum(e, axis=-1, keepdims=True)
        w = e / s
        w128_ref[...] = w
        w_ref[...] = w[:, :k]

    return body



def _stream_body(w128_ref, img_ref, fused_ref):
    j = pl.program_id(0)
    onehot = (lax.broadcasted_iota(jnp.int32, (128, 128), 0)
              == j).astype(jnp.float32)
    wcol = jnp.dot(w128_ref[...], onehot,
                   preferred_element_type=jnp.float32)
    contrib = wcol * img_ref[0]

    @pl.when(j == 0)
    def _():
        fused_ref[...] = contrib

    @pl.when(j > 0)
    def _():
        fused_ref[...] += contrib


def kernel(img_views, subject_ids, view_logits_weight):
    b, k, d = img_views.shape

    ids = subject_ids.astype(jnp.int32).reshape(b // 128, 128)
    gather = _make_sc_gather(b)
    logits = gather(view_logits_weight, ids).reshape(b, 128)

    tb_a = 8192
    w128, weights = pl.pallas_call(
        _make_softmax_body(k),
        grid=(b // tb_a,),
        in_specs=[pl.BlockSpec((tb_a, 128), lambda i: (i, 0))],
        out_specs=[
            pl.BlockSpec((tb_a, 128), lambda i: (i, 0)),
            pl.BlockSpec((tb_a, k), lambda i: (i, 0)),
        ],
        out_shape=[
            jax.ShapeDtypeStruct((b, 128), jnp.float32),
            jax.ShapeDtypeStruct((b, k), jnp.float32),
        ],
    )(logits)

    imgT = img_views.transpose(1, 0, 2)

    fused = pl.pallas_call(
        _stream_body,
        grid=(k,),
        in_specs=[
            pl.BlockSpec((b, 128), lambda j: (0, 0)),
            pl.BlockSpec((1, b, d), lambda j: (j, 0, 0)),
        ],
        out_specs=pl.BlockSpec((b, d), lambda j: (0, 0)),
        out_shape=jax.ShapeDtypeStruct((b, d), jnp.float32),
    )(w128, imgT)
    return (fused, weights)

# --- scband reference (transcript-rebuilt; emitter-appended) ---
"""Pipeline reference for scband-subject-view-fusion-34325378630088 (READ-ONLY COPY).

The authoritative reference and input builder live on the scoring server;
editing this copy changes nothing except your own understanding.
"""

import jax, jax.numpy as jnp
import numpy as np

MAX_SUBJECT_ID = 100000
NUM_VIEWS = 20
B = 16384
D = 128

def setup_inputs(seed: int = 0) -> dict:
    key = jax.random.key(seed)
    k1, k2 = jax.random.split(key)
    img_views = jax.random.normal(k1, (B, NUM_VIEWS, D), dtype=jnp.float32)
    subject_ids = jax.random.randint(k2, (B,), 0, MAX_SUBJECT_ID + 1, dtype=jnp.int64)
    # nn.init.zeros_ on the embedding weight
    view_logits_weight = jnp.zeros((MAX_SUBJECT_ID + 1, NUM_VIEWS), dtype=jnp.float32)
    return {"img_views": img_views, "subject_ids": subject_ids, "view_logits_weight": view_logits_weight}

def reference(img_views, subject_ids, view_logits_weight):
    # embedding lookup: gather rows of the logits table by subject id
    logits = jnp.take(view_logits_weight, subject_ids, axis=0)  # [B, K]
    weights = jax.nn.softmax(logits, axis=-1)                   # [B, K]
    fused = jnp.sum(weights[..., None] * img_views, axis=1)     # [B, D]
    return (fused, weights)

if __name__ == "__main__":
    import jax
    _d = setup_inputs()
    print(jax.jit(kernel)(*tuple(_d.values())))

</pallas_src>

<mosaic_0001>
#map = affine_map<(d0, d1) -> (0, 0)>
#map1 = affine_map<(d0, d1) -> (0, 0, 0)>
module attributes {stable_mosaic.version = 14 : i64} {
  func.func @sc_gather(%arg0: i32, %arg1: i32, %arg2: memref<100001x20xf32, #tpu.memory_space<hbm>>, %arg3: memref<128x128xi32, #tpu.memory_space<hbm>>, %arg4: memref<128x128x128xf32, #tpu.memory_space<hbm>>, %arg5: memref<4x128xi32, #tpu.memory_space<vmem>>, %arg6: memref<4x128x20xf32, #tpu.memory_space<vmem>>, %arg7: memref<4x128x128xf32, #tpu.memory_space<vmem>>, %arg8: memref<!tpu.dma_semaphore, #tpu.memory_space<semaphore_mem>>) attributes {dimension_semantics = [#tpu.dimension_semantics<core_parallel>, #tpu.dimension_semantics<subcore_parallel>], iteration_bounds = array<i64: 2, 16>, scalar_prefetch = 0 : i64, scratch_operands = 4 : i64, tpu.core_type = #tpu.core_type<sc_vector_subcore>, window_params = [{transform_indices = #map}, {transform_indices = #map}, {transform_indices = #map1}]} {
    %mul3A = arith.constant 2 : i32
    %mul3A_0 = arith.muli %arg1, %mul3A : i32
    %add3A = arith.addi %mul3A_0, %arg0 : i32
    %mul3A_1 = arith.constant 4 : i32
    %mul3A_2 = arith.muli %add3A, %mul3A_1 : i32
    "tpu.region"() ({
      %run_scoped3A = tpu.sem_alloc : memref<!tpu.dma_semaphore, #tpu.memory_space<semaphore_mem>>
      %dma_start3A_105 = arith.constant 0 : i32
      %dma_start3A_106 = tpu.memref_slice %arg3[%mul3A_2, %dma_start3A_105] : memref<128x128xi32, #tpu.memory_space<hbm>> -> memref<4x128xi32, #tpu.memory_space<hbm>>
      %dma_start3A_107 = arith.constant 0 : i32
      %dma_start3A_108 = tpu.memref_slice %arg3[%mul3A_2, %dma_start3A_107] : memref<128x128xi32, #tpu.memory_space<hbm>> -> memref<4x128xi32, #tpu.memory_space<hbm>>
      tpu.enqueue_dma source(%dma_start3A_108 : memref<4x128xi32, #tpu.memory_space<hbm>>) target(%arg5 : memref<4x128xi32, #tpu.memory_space<vmem>>) target_semaphore(%run_scoped3A : memref<!tpu.dma_semaphore, #tpu.memory_space<semaphore_mem>>)
      %dma_wait3A_109 = arith.constant 0 : i32
      %dma_wait3A_110 = tpu.memref_slice %arg3[%mul3A_2, %dma_wait3A_109] : memref<128x128xi32, #tpu.memory_space<hbm>> -> memref<4x128xi32, #tpu.memory_space<hbm>>
      %dma_wait3A_111 = arith.constant 0 : i32
      %dma_wait3A_112 = tpu.memref_slice %arg3[%mul3A_2, %dma_wait3A_111] : memref<128x128xi32, #tpu.memory_space<hbm>> -> memref<4x128xi32, #tpu.memory_space<hbm>>
      tpu.wait_dma2 semaphore(%run_scoped3A : memref<!tpu.dma_semaphore, #tpu.memory_space<semaphore_mem>>) src(%dma_wait3A_112 : memref<4x128xi32, #tpu.memory_space<hbm>>) dst(%arg5 : memref<4x128xi32, #tpu.memory_space<vmem>>)
      tpu.yield
    }) : () -> ()
    %dma_start3A = arith.constant 0 : i32
    %dma_start3A_3 = arith.constant 0 : i32
    %dma_start3A_4 = arith.constant 0 : i32
    %dma_start3A_5 = arith.constant 0 : i32
    %dma_start3A_6 = tpu.memref_slice %arg6[%dma_start3A_3, %dma_start3A_4, %dma_start3A_5] : memref<4x128x20xf32, #tpu.memory_space<vmem>> -> memref<1x128x20xf32, #tpu.memory_space<vmem>>
    %dma_start3A_7 = tpu.memref_squeeze %dma_start3A_6 : memref<1x128x20xf32, #tpu.memory_space<vmem>> -> memref<128x20xf32, #tpu.memory_space<vmem>>
    %dma_start3A_8 = arith.constant 0 : i32
    %dma_start3A_9 = tpu.memref_slice %arg5[%dma_start3A, %dma_start3A_8] : memref<4x128xi32, #tpu.memory_space<vmem>> -> memref<1x128xi32, #tpu.memory_space<vmem>>
    %dma_start3A_10 = tpu.memref_squeeze %dma_start3A_9 : memref<1x128xi32, #tpu.memory_space<vmem>> -> memref<128xi32, #tpu.memory_space<vmem>>
    %dma_start3A_11 = arith.constant 0 : i32
    %dma_start3A_12 = arith.constant 0 : i32
    %dma_start3A_13 = tpu.memref_slice %arg2[%dma_start3A_11, %dma_start3A_12] : memref<100001x20xf32, #tpu.memory_space<hbm>> -> memref<100001x20xf32, #tpu.memory_space<hbm>>
    tpu.enqueue_indirect_dma source(%dma_start3A_13 : memref<100001x20xf32, #tpu.memory_space<hbm>>) target(%dma_start3A_7 : memref<128x20xf32, #tpu.memory_space<vmem>>) offsets(%dma_start3A_10 : memref<128xi32, #tpu.memory_space<vmem>>) semaphore(%arg8 : memref<!tpu.dma_semaphore, #tpu.memory_space<semaphore_mem>>)
    %dma_start3A_14 = arith.constant 1 : i32
    %dma_start3A_15 = arith.constant 1 : i32
    %dma_start3A_16 = arith.constant 0 : i32
    %dma_start3A_17 = arith.constant 0 : i32
    %dma_start3A_18 = tpu.memref_slice %arg6[%dma_start3A_15, %dma_start3A_16, %dma_start3A_17] : memref<4x128x20xf32, #tpu.memory_space<vmem>> -> memref<1x128x20xf32, #tpu.memory_space<vmem>>
    %dma_start3A_19 = tpu.memref_squeeze %dma_start3A_18 : memref<1x128x20xf32, #tpu.memory_space<vmem>> -> memref<128x20xf32, #tpu.memory_space<vmem>>
    %dma_start3A_20 = arith.constant 0 : i32
    %dma_start3A_21 = tpu.memref_slice %arg5[%dma_start3A_14, %dma_start3A_20] : memref<4x128xi32, #tpu.memory_space<vmem>> -> memref<1x128xi32, #tpu.memory_space<vmem>>
    %dma_start3A_22 = tpu.memref_squeeze %dma_start3A_21 : memref<1x128xi32, #tpu.memory_space<vmem>> -> memref<128xi32, #tpu.memory_space<vmem>>
    %dma_start3A_23 = arith.constant 0 : i32
    %dma_start3A_24 = arith.constant 0 : i32
    %dma_start3A_25 = tpu.memref_slice %arg2[%dma_start3A_23, %dma_start3A_24] : memref<100001x20xf32, #tpu.memory_space<hbm>> -> memref<100001x20xf32, #tpu.memory_space<hbm>>
    tpu.enqueue_indirect_dma source(%dma_start3A_25 : memref<100001x20xf32, #tpu.memory_space<hbm>>) target(%dma_start3A_19 : memref<128x20xf32, #tpu.memory_space<vmem>>) offsets(%dma_start3A_22 : memref<128xi32, #tpu.memory_space<vmem>>) semaphore(%arg8 : memref<!tpu.dma_semaphore, #tpu.memory_space<semaphore_mem>>)
    %dma_start3A_26 = arith.constant 2 : i32
    %dma_start3A_27 = arith.constant 2 : i32
    %dma_start3A_28 = arith.constant 0 : i32
    %dma_start3A_29 = arith.constant 0 : i32
    %dma_start3A_30 = tpu.memref_slice %arg6[%dma_start3A_27, %dma_start3A_28, %dma_start3A_29] : memref<4x128x20xf32, #tpu.memory_space<vmem>> -> memref<1x128x20xf32, #tpu.memory_space<vmem>>
    %dma_start3A_31 = tpu.memref_squeeze %dma_start3A_30 : memref<1x128x20xf32, #tpu.memory_space<vmem>> -> memref<128x20xf32, #tpu.memory_space<vmem>>
    %dma_start3A_32 = arith.constant 0 : i32
    %dma_start3A_33 = tpu.memref_slice %arg5[%dma_start3A_26, %dma_start3A_32] : memref<4x128xi32, #tpu.memory_space<vmem>> -> memref<1x128xi32, #tpu.memory_space<vmem>>
    %dma_start3A_34 = tpu.memref_squeeze %dma_start3A_33 : memref<1x128xi32, #tpu.memory_space<vmem>> -> memref<128xi32, #tpu.memory_space<vmem>>
    %dma_start3A_35 = arith.constant 0 : i32
    %dma_start3A_36 = arith.constant 0 : i32
    %dma_start3A_37 = tpu.memref_slice %arg2[%dma_start3A_35, %dma_start3A_36] : memref<100001x20xf32, #tpu.memory_space<hbm>> -> memref<100001x20xf32, #tpu.memory_space<hbm>>
    tpu.enqueue_indirect_dma source(%dma_start3A_37 : memref<100001x20xf32, #tpu.memory_space<hbm>>) target(%dma_start3A_31 : memref<128x20xf32, #tpu.memory_space<vmem>>) offsets(%dma_start3A_34 : memref<128xi32, #tpu.memory_space<vmem>>) semaphore(%arg8 : memref<!tpu.dma_semaphore, #tpu.memory_space<semaphore_mem>>)
    %dma_start3A_38 = arith.constant 3 : i32
    %dma_start3A_39 = arith.constant 3 : i32
    %dma_start3A_40 = arith.constant 0 : i32
    %dma_start3A_41 = arith.constant 0 : i32
    %dma_start3A_42 = tpu.memref_slice %arg6[%dma_start3A_39, %dma_start3A_40, %dma_start3A_41] : memref<4x128x20xf32, #tpu.memory_space<vmem>> -> memref<1x128x20xf32, #tpu.memory_space<vmem>>
    %dma_start3A_43 = tpu.memref_squeeze %dma_start3A_42 : memref<1x128x20xf32, #tpu.memory_space<vmem>> -> memref<128x20xf32, #tpu.memory_space<vmem>>
    %dma_start3A_44 = arith.constant 0 : i32
    %dma_start3A_45 = tpu.memref_slice %arg5[%dma_start3A_38, %dma_start3A_44] : memref<4x128xi32, #tpu.memory_space<vmem>> -> memref<1x128xi32, #tpu.memory_space<vmem>>
    %dma_start3A_46 = tpu.memref_squeeze %dma_start3A_45 : memref<1x128xi32, #tpu.memory_space<vmem>> -> memref<128xi32, #tpu.memory_space<vmem>>
    %dma_start3A_47 = arith.constant 0 : i32
    %dma_start3A_48 = arith.constant 0 : i32
    %dma_start3A_49 = tpu.memref_slice %arg2[%dma_start3A_47, %dma_start3A_48] : memref<100001x20xf32, #tpu.memory_space<hbm>> -> memref<100001x20xf32, #tpu.memory_space<hbm>>
    tpu.enqueue_indirect_dma source(%dma_start3A_49 : memref<100001x20xf32, #tpu.memory_space<hbm>>) target(%dma_start3A_43 : memref<128x20xf32, #tpu.memory_space<vmem>>) offsets(%dma_start3A_46 : memref<128xi32, #tpu.memory_space<vmem>>) semaphore(%arg8 : memref<!tpu.dma_semaphore, #tpu.memory_space<semaphore_mem>>)
    %dma_wait3A = arith.constant 0 : i32
    %dma_wait3A_50 = arith.constant 0 : i32
    %dma_wait3A_51 = arith.constant 0 : i32
    %dma_wait3A_52 = arith.constant 0 : i32
    %dma_wait3A_53 = tpu.memref_slice %arg6[%dma_wait3A_50, %dma_wait3A_51, %dma_wait3A_52] : memref<4x128x20xf32, #tpu.memory_space<vmem>> -> memref<1x128x20xf32, #tpu.memory_space<vmem>>
    %dma_wait3A_54 = tpu.memref_squeeze %dma_wait3A_53 : memref<1x128x20xf32, #tpu.memory_space<vmem>> -> memref<128x20xf32, #tpu.memory_space<vmem>>
    %dma_wait3A_55 = arith.constant 0 : i32
    %dma_wait3A_56 = tpu.memref_slice %arg5[%dma_wait3A, %dma_wait3A_55] : memref<4x128xi32, #tpu.memory_space<vmem>> -> memref<1x128xi32, #tpu.memory_space<vmem>>
    %dma_wait3A_57 = tpu.memref_squeeze %dma_wait3A_56 : memref<1x128xi32, #tpu.memory_space<vmem>> -> memref<128xi32, #tpu.memory_space<vmem>>
    %dma_wait3A_58 = arith.constant 0 : i32
    %dma_wait3A_59 = arith.constant 0 : i32
    %dma_wait3A_60 = tpu.memref_slice %arg2[%dma_wait3A_58, %dma_wait3A_59] : memref<100001x20xf32, #tpu.memory_space<hbm>> -> memref<100001x20xf32, #tpu.memory_space<hbm>>
    tpu.wait_indirect_dma semaphore(%arg8 : memref<!tpu.dma_semaphore, #tpu.memory_space<semaphore_mem>>) src(%dma_wait3A_60 : memref<100001x20xf32, #tpu.memory_space<hbm>>) dst(%dma_wait3A_54 : memref<128x20xf32, #tpu.memory_space<vmem>>)
    %dma_wait3A_61 = arith.constant 1 : i32
    %dma_wait3A_62 = arith.constant 1 : i32
    %dma_wait3A_63 = arith.constant 0 : i32
    %dma_wait3A_64 = arith.constant 0 : i32
    %dma_wait3A_65 = tpu.memref_slice %arg6[%dma_wait3A_62, %dma_wait3A_63, %dma_wait3A_64] : memref<4x128x20xf32, #tpu.memory_space<vmem>> -> memref<1x128x20xf32, #tpu.memory_space<vmem>>
    %dma_wait3A_66 = tpu.memref_squeeze %dma_wait3A_65 : memref<1x128x20xf32, #tpu.memory_space<vmem>> -> memref<128x20xf32, #tpu.memory_space<vmem>>
    %dma_wait3A_67 = arith.constant 0 : i32
    %dma_wait3A_68 = tpu.memref_slice %arg5[%dma_wait3A_61, %dma_wait3A_67] : memref<4x128xi32, #tpu.memory_space<vmem>> -> memref<1x128xi32, #tpu.memory_space<vmem>>
    %dma_wait3A_69 = tpu.memref_squeeze %dma_wait3A_68 : memref<1x128xi32, #tpu.memory_space<vmem>> -> memref<128xi32, #tpu.memory_space<vmem>>
    %dma_wait3A_70 = arith.constant 0 : i32
    %dma_wait3A_71 = arith.constant 0 : i32
    %dma_wait3A_72 = tpu.memref_slice %arg2[%dma_wait3A_70, %dma_wait3A_71] : memref<100001x20xf32, #tpu.memory_space<hbm>> -> memref<100001x20xf32, #tpu.memory_space<hbm>>
    tpu.wait_indirect_dma semaphore(%arg8 : memref<!tpu.dma_semaphore, #tpu.memory_space<semaphore_mem>>) src(%dma_wait3A_72 : memref<100001x20xf32, #tpu.memory_space<hbm>>) dst(%dma_wait3A_66 : memref<128x20xf32, #tpu.memory_space<vmem>>)
    %dma_wait3A_73 = arith.constant 2 : i32
    %dma_wait3A_74 = arith.constant 2 : i32
    %dma_wait3A_75 = arith.constant 0 : i32
    %dma_wait3A_76 = arith.constant 0 : i32
    %dma_wait3A_77 = tpu.memref_slice %arg6[%dma_wait3A_74, %dma_wait3A_75, %dma_wait3A_76] : memref<4x128x20xf32, #tpu.memory_space<vmem>> -> memref<1x128x20xf32, #tpu.memory_space<vmem>>
    %dma_wait3A_78 = tpu.memref_squeeze %dma_wait3A_77 : memref<1x128x20xf32, #tpu.memory_space<vmem>> -> memref<128x20xf32, #tpu.memory_space<vmem>>
    %dma_wait3A_79 = arith.constant 0 : i32
    %dma_wait3A_80 = tpu.memref_slice %arg5[%dma_wait3A_73, %dma_wait3A_79] : memref<4x128xi32, #tpu.memory_space<vmem>> -> memref<1x128xi32, #tpu.memory_space<vmem>>
    %dma_wait3A_81 = tpu.memref_squeeze %dma_wait3A_80 : memref<1x128xi32, #tpu.memory_space<vmem>> -> memref<128xi32, #tpu.memory_space<vmem>>
    %dma_wait3A_82 = arith.constant 0 : i32
    %dma_wait3A_83 = arith.constant 0 : i32
    %dma_wait3A_84 = tpu.memref_slice %arg2[%dma_wait3A_82, %dma_wait3A_83] : memref<100001x20xf32, #tpu.memory_space<hbm>> -> memref<100001x20xf32, #tpu.memory_space<hbm>>
    tpu.wait_indirect_dma semaphore(%arg8 : memref<!tpu.dma_semaphore, #tpu.memory_space<semaphore_mem>>) src(%dma_wait3A_84 : memref<100001x20xf32, #tpu.memory_space<hbm>>) dst(%dma_wait3A_78 : memref<128x20xf32, #tpu.memory_space<vmem>>)
    %dma_wait3A_85 = arith.constant 3 : i32
    %dma_wait3A_86 = arith.constant 3 : i32
    %dma_wait3A_87 = arith.constant 0 : i32
    %dma_wait3A_88 = arith.constant 0 : i32
    %dma_wait3A_89 = tpu.memref_slice %arg6[%dma_wait3A_86, %dma_wait3A_87, %dma_wait3A_88] : memref<4x128x20xf32, #tpu.memory_space<vmem>> -> memref<1x128x20xf32, #tpu.memory_space<vmem>>
    %dma_wait3A_90 = tpu.memref_squeeze %dma_wait3A_89 : memref<1x128x20xf32, #tpu.memory_space<vmem>> -> memref<128x20xf32, #tpu.memory_space<vmem>>
    %dma_wait3A_91 = arith.constant 0 : i32
    %dma_wait3A_92 = tpu.memref_slice %arg5[%dma_wait3A_85, %dma_wait3A_91] : memref<4x128xi32, #tpu.memory_space<vmem>> -> memref<1x128xi32, #tpu.memory_space<vmem>>
    %dma_wait3A_93 = tpu.memref_squeeze %dma_wait3A_92 : memref<1x128xi32, #tpu.memory_space<vmem>> -> memref<128xi32, #tpu.memory_space<vmem>>
    %dma_wait3A_94 = arith.constant 0 : i32
    %dma_wait3A_95 = arith.constant 0 : i32
    %dma_wait3A_96 = tpu.memref_slice %arg2[%dma_wait3A_94, %dma_wait3A_95] : memref<100001x20xf32, #tpu.memory_space<hbm>> -> memref<100001x20xf32, #tpu.memory_space<hbm>>
    tpu.wait_indirect_dma semaphore(%arg8 : memref<!tpu.dma_semaphore, #tpu.memory_space<semaphore_mem>>) src(%dma_wait3A_96 : memref<100001x20xf32, #tpu.memory_space<hbm>>) dst(%dma_wait3A_90 : memref<128x20xf32, #tpu.memory_space<vmem>>)
    %iota3A = tpu.iota {dimensions = array<i32: 0>} : vector<16xi32>
    %add3A_97 = arith.constant 4 : i32
    %add3A_98 = vector.broadcast %add3A_97 : i32 to vector<16xi32>
    %add3A_99 = arith.addi %iota3A, %add3A_98 : vector<16xi32>
    %scan3A = arith.constant 0 : i32
    %scan3A_100 = arith.constant 0 : i32
    %scan3A_101 = arith.constant 128 : i32
    %scan3A_102 = arith.addi %scan3A_100, %scan3A_101 : i32
    %scan3A_103 = arith.constant 1 : i32
    scf.for %scan3A_105 = %scan3A_100 to %scan3A_102 step %scan3A_103  : i32 {
      %broadcast_in_dim3A = vector.broadcast %scan3A_105 : i32 to vector<16xi32>
      %broadcast_in_dim3A_106 = arith.constant 0 : i32
      %broadcast_in_dim3A_107 = vector.broadcast %broadcast_in_dim3A_106 : i32 to vector<16xi32>
      %gather3A = tpu.vector_load_idx %arg6[%broadcast_in_dim3A_107, %broadcast_in_dim3A, %iota3A] : memref<4x128x20xf32, #tpu.memory_space<vmem>>[vector<16xi32>, vector<16xi32>, vector<16xi32>], vector<16xf32>,
      %gather3A_108 = tpu.vector_load_idx %arg6[%broadcast_in_dim3A_107, %broadcast_in_dim3A, %add3A_99] : memref<4x128x20xf32, #tpu.memory_space<vmem>>[vector<16xi32>, vector<16xi32>, vector<16xi32>], vector<16xf32>,
      tpu.vector_store_idx %arg7[%broadcast_in_dim3A_107, %broadcast_in_dim3A, %iota3A], %gather3A : memref<4x128x128xf32, #tpu.memory_space<vmem>>[vector<16xi32>, vector<16xi32>, vector<16xi32>], vector<16xf32>,
      tpu.vector_store_idx %arg7[%broadcast_in_dim3A_107, %broadcast_in_dim3A, %add3A_99], %gather3A_108 : memref<4x128x128xf32, #tpu.memory_space<vmem>>[vector<16xi32>, vector<16xi32>, vector<16xi32>], vector<16xf32>,
      %broadcast_in_dim3A_109 = arith.constant 1 : i32
      %broadcast_in_dim3A_110 = vector.broadcast %broadcast_in_dim3A_109 : i32 to vector<16xi32>
      %gather3A_111 = tpu.vector_load_idx %arg6[%broadcast_in_dim3A_110, %broadcast_in_dim3A, %iota3A] : memref<4x128x20xf32, #tpu.memory_space<vmem>>[vector<16xi32>, vector<16xi32>, vector<16xi32>], vector<16xf32>,
      %gather3A_112 = tpu.vector_load_idx %arg6[%broadcast_in_dim3A_110, %broadcast_in_dim3A, %add3A_99] : memref<4x128x20xf32, #tpu.memory_space<vmem>>[vector<16xi32>, vector<16xi32>, vector<16xi32>], vector<16xf32>,
      tpu.vector_store_idx %arg7[%broadcast_in_dim3A_110, %broadcast_in_dim3A, %iota3A], %gather3A_111 : memref<4x128x128xf32, #tpu.memory_space<vmem>>[vector<16xi32>, vector<16xi32>, vector<16xi32>], vector<16xf32>,
      tpu.vector_store_idx %arg7[%broadcast_in_dim3A_110, %broadcast_in_dim3A, %add3A_99], %gather3A_112 : memref<4x128x128xf32, #tpu.memory_space<vmem>>[vector<16xi32>, vector<16xi32>, vector<16xi32>], vector<16xf32>,
      %broadcast_in_dim3A_113 = arith.constant 2 : i32
      %broadcast_in_dim3A_114 = vector.broadcast %broadcast_in_dim3A_113 : i32 to vector<16xi32>
      %gather3A_115 = tpu.vector_load_idx %arg6[%broadcast_in_dim3A_114, %broadcast_in_dim3A, %iota3A] : memref<4x128x20xf32, #tpu.memory_space<vmem>>[vector<16xi32>, vector<16xi32>, vector<16xi32>], vector<16xf32>,
      %gather3A_116 = tpu.vector_load_idx %arg6[%broadcast_in_dim3A_114, %broadcast_in_dim3A, %add3A_99] : memref<4x128x20xf32, #tpu.memory_space<vmem>>[vector<16xi32>, vector<16xi32>, vector<16xi32>], vector<16xf32>,
      tpu.vector_store_idx %arg7[%broadcast_in_dim3A_114, %broadcast_in_dim3A, %iota3A], %gather3A_115 : memref<4x128x128xf32, #tpu.memory_space<vmem>>[vector<16xi32>, vector<16xi32>, vector<16xi32>], vector<16xf32>,
      tpu.vector_store_idx %arg7[%broadcast_in_dim3A_114, %broadcast_in_dim3A, %add3A_99], %gather3A_116 : memref<4x128x128xf32, #tpu.memory_space<vmem>>[vector<16xi32>, vector<16xi32>, vector<16xi32>], vector<16xf32>,
      %broadcast_in_dim3A_117 = arith.constant 3 : i32
      %broadcast_in_dim3A_118 = vector.broadcast %broadcast_in_dim3A_117 : i32 to vector<16xi32>
      %gather3A_119 = tpu.vector_load_idx %arg6[%broadcast_in_dim3A_118, %broadcast_in_dim3A, %iota3A] : memref<4x128x20xf32, #tpu.memory_space<vmem>>[vector<16xi32>, vector<16xi32>, vector<16xi32>], vector<16xf32>,
      %gather3A_120 = tpu.vector_load_idx %arg6[%broadcast_in_dim3A_118, %broadcast_in_dim3A, %add3A_99] : memref<4x128x20xf32, #tpu.memory_space<vmem>>[vector<16xi32>, vector<16xi32>, vector<16xi32>], vector<16xf32>,
      tpu.vector_store_idx %arg7[%broadcast_in_dim3A_118, %broadcast_in_dim3A, %iota3A], %gather3A_119 : memref<4x128x128xf32, #tpu.memory_space<vmem>>[vector<16xi32>, vector<16xi32>, vector<16xi32>], vector<16xf32>,
      tpu.vector_store_idx %arg7[%broadcast_in_dim3A_118, %broadcast_in_dim3A, %add3A_99], %gather3A_120 : memref<4x128x128xf32, #tpu.memory_space<vmem>>[vector<16xi32>, vector<16xi32>, vector<16xi32>], vector<16xf32>,
    }
    %scan3A_104 = arith.constant 128 : i32
    "tpu.region"() ({
      %run_scoped3A = tpu.sem_alloc : memref<!tpu.dma_semaphore, #tpu.memory_space<semaphore_mem>>
      %dma_start3A_105 = arith.constant 0 : i32
      %dma_start3A_106 = arith.constant 0 : i32
      %dma_start3A_107 = tpu.memref_slice %arg4[%mul3A_2, %dma_start3A_105, %dma_start3A_106] : memref<128x128x128xf32, #tpu.memory_space<hbm>> -> memref<4x128x128xf32, #tpu.memory_space<hbm>>
      %dma_start3A_108 = arith.constant 0 : i32
      %dma_start3A_109 = arith.constant 0 : i32
      %dma_start3A_110 = tpu.memref_slice %arg4[%mul3A_2, %dma_start3A_108, %dma_start3A_109] : memref<128x128x128xf32, #tpu.memory_space<hbm>> -> memref<4x128x128xf32, #tpu.memory_space<hbm>>
      tpu.enqueue_dma source(%arg7 : memref<4x128x128xf32, #tpu.memory_space<vmem>>) target(%dma_start3A_110 : memref<4x128x128xf32, #tpu.memory_space<hbm>>) target_semaphore(%run_scoped3A : memref<!tpu.dma_semaphore, #tpu.memory_space<semaphore_mem>>)
      %dma_wait3A_111 = arith.constant 0 : i32
      %dma_wait3A_112 = arith.constant 0 : i32
      %dma_wait3A_113 = tpu.memref_slice %arg4[%mul3A_2, %dma_wait3A_111, %dma_wait3A_112] : memref<128x128x128xf32, #tpu.memory_space<hbm>> -> memref<4x128x128xf32, #tpu.memory_space<hbm>>
      %dma_wait3A_114 = arith.constant 0 : i32
      %dma_wait3A_115 = arith.constant 0 : i32
      %dma_wait3A_116 = tpu.memref_slice %arg4[%mul3A_2, %dma_wait3A_114, %dma_wait3A_115] : memref<128x128x128xf32, #tpu.memory_space<hbm>> -> memref<4x128x128xf32, #tpu.memory_space<hbm>>
      tpu.wait_dma2 semaphore(%run_scoped3A : memref<!tpu.dma_semaphore, #tpu.memory_space<semaphore_mem>>) src(%arg7 : memref<4x128x128xf32, #tpu.memory_space<vmem>>) dst(%dma_wait3A_116 : memref<4x128x128xf32, #tpu.memory_space<hbm>>)
      tpu.yield
    }) : () -> ()
    return
  }
}

module attributes {stable_mosaic.version = 14 : i64} {
  func.func @body(%arg0: i32, %arg1: memref<8192x128xf32, #tpu.memory_space<vmem>>, %arg2: memref<8192x128xf32, #tpu.memory_space<vmem>>, %arg3: memref<8192x20xf32, #tpu.memory_space<vmem>>) attributes {dimension_semantics = [#tpu.dimension_semantics<arbitrary>], iteration_bounds = array<i64: 2>, scalar_prefetch = 0 : i64, scratch_operands = 0 : i64, tpu.core_type = #tpu.core_type<tc>, window_params = [{transform_indices = @transform_0, window_bounds = array<i64: 8192, 128>}, {transform_indices = @transform_1, window_bounds = array<i64: 8192, 128>}, {transform_indices = @transform_2, window_bounds = array<i64: 8192, 20>}]} {
    %get3A = arith.constant 0 : index
    %get3A_0 = arith.constant 0 : index
    %get3A_1 = vector.load %arg1[%get3A, %get3A_0] : memref<8192x128xf32, #tpu.memory_space<vmem>>, vector<8192x128xf32>
    %iota3A = tpu.iota {dimensions = array<i32: 1>} : vector<8192x128xi32>
    %lt3A = arith.constant 20 : i32
    %lt3A_2 = vector.broadcast %lt3A : i32 to vector<8192x128xi32>
    %lt3A_3 = arith.cmpi slt, %iota3A, %lt3A_2 : vector<8192x128xi32>
    %jit3A = arith.constant -1.000000e+30 : f32
    %broadcast_in_dim3A = vector.broadcast %jit3A : f32 to vector<8192x128xf32>
    %select_n3A = arith.select %lt3A_3, %get3A_1, %broadcast_in_dim3A : vector<8192x128xi1>, vector<8192x128xf32>
    %reduce_max3A = arith.constant dense<0xFF800000> : vector<8192xf32>
    %reduce_max3A_4 = vector.multi_reduction <maximumf>, %select_n3A, %reduce_max3A [1] : vector<8192x128xf32> to vector<8192xf32>
    %broadcast_in_dim3A_5 = vector.shape_cast %reduce_max3A_4 : vector<8192xf32> to vector<8192x1xf32>
    %sub3A = vector.broadcast %broadcast_in_dim3A_5 : vector<8192x1xf32> to vector<8192x128xf32>
    %sub3A_6 = arith.subf %select_n3A, %sub3A : vector<8192x128xf32>
    %exp3A = math.exp %sub3A_6 : vector<8192x128xf32>
    %reduce_sum3A = arith.constant dense<0.000000e+00> : vector<8192xf32>
    %reduce_sum3A_7 = vector.multi_reduction <add>, %exp3A, %reduce_sum3A [1] : vector<8192x128xf32> to vector<8192xf32>
    %broadcast_in_dim3A_8 = vector.shape_cast %reduce_sum3A_7 : vector<8192xf32> to vector<8192x1xf32>
    %div3A = vector.broadcast %broadcast_in_dim3A_8 : vector<8192x1xf32> to vector<8192x128xf32>
    %div3A_9 = arith.divf %exp3A, %div3A : vector<8192x128xf32>
    %swap3A = arith.constant 0 : index
    %swap3A_10 = arith.constant 0 : index
    %swap3A_11 = vector.load %arg2[%swap3A, %swap3A_10] : memref<8192x128xf32, #tpu.memory_space<vmem>>, vector<8192x128xf32>
    tpu.vector_store %arg2[%swap3A, %swap3A_10], %div3A_9 {strides = array<i32>} : memref<8192x128xf32, #tpu.memory_space<vmem>>, vector<8192x128xf32>,
    %slice3A = vector.extract_strided_slice %div3A_9 {offsets = [0, 0], sizes = [8192, 20], strides = [1, 1]} : vector<8192x128xf32> to vector<8192x20xf32>
    %swap3A_12 = arith.constant 0 : index
    %swap3A_13 = arith.constant 0 : index
    %swap3A_14 = vector.load %arg3[%swap3A_12, %swap3A_13] : memref<8192x20xf32, #tpu.memory_space<vmem>>, vector<8192x20xf32>
    tpu.vector_store %arg3[%swap3A_12, %swap3A_13], %slice3A {strides = array<i32>} : memref<8192x20xf32, #tpu.memory_space<vmem>>, vector<8192x20xf32>,
    return
  }
  func.func @transform_0(%arg0: i32) -> (i32, i32) {
    %c0_i32 = arith.constant 0 : i32
    %c0_i32_0 = arith.constant 0 : i32
    return %arg0, %c0_i32 : i32, i32
  }
  func.func @transform_1(%arg0: i32) -> (i32, i32) {
    %c0_i32 = arith.constant 0 : i32
    %c0_i32_0 = arith.constant 0 : i32
    return %arg0, %c0_i32 : i32, i32
  }
  func.func @transform_2(%arg0: i32) -> (i32, i32) {
    %c0_i32 = arith.constant 0 : i32
    %c0_i32_0 = arith.constant 0 : i32
    return %arg0, %c0_i32 : i32, i32
  }
}

module attributes {stable_mosaic.version = 14 : i64} {
  func.func @_stream_body(%arg0: i32, %arg1: memref<16384x128xf32, #tpu.memory_space<vmem>>, %arg2: memref<1x16384x128xf32, #tpu.memory_space<vmem>>, %arg3: memref<16384x128xf32, #tpu.memory_space<vmem>>) attributes {dimension_semantics = [#tpu.dimension_semantics<arbitrary>], iteration_bounds = array<i64: 20>, scalar_prefetch = 0 : i64, scratch_operands = 0 : i64, tpu.core_type = #tpu.core_type<tc>, window_params = [{pipeline_mode = #tpu.pipeline_mode<synchronous>, transform_indices = @transform_0, window_bounds = array<i64: 16384, 128>}, {transform_indices = @transform_1, window_bounds = array<i64: 1, 16384, 128>}, {pipeline_mode = #tpu.pipeline_mode<synchronous>, transform_indices = @transform_2, window_bounds = array<i64: 16384, 128>}]} {
    %iota3A = tpu.iota {dimensions = array<i32: 0>} : vector<128x128xi32>
    %eq3A = vector.broadcast %arg0 : i32 to vector<128x128xi32>
    %eq3A_0 = arith.cmpi eq, %iota3A, %eq3A : vector<128x128xi32>
    %convert_element_type3A = arith.extui %eq3A_0 : vector<128x128xi1> to vector<128x128xi32>
    %convert_element_type3A_1 = arith.sitofp %convert_element_type3A : vector<128x128xi32> to vector<128x128xf32>
    %get3A = arith.constant 0 : index
    %get3A_2 = arith.constant 0 : index
    %get3A_3 = vector.load %arg1[%get3A, %get3A_2] : memref<16384x128xf32, #tpu.memory_space<vmem>>, vector<16384x128xf32>
    %dot_general3A = arith.constant dense<0.000000e+00> : vector<16384x128xf32>
    %dot_general3A_4 = tpu.matmul %get3A_3, %convert_element_type3A_1, %dot_general3A {dimension_numbers = #tpu.dot_dimension_numbers<[1], [0], [0], [1], [0, 0, 1, 1], [], []>, transpose_lhs_hint = false} : vector<16384x128xf32>, vector<128x128xf32>, vector<16384x128xf32> -> vector<16384x128xf32>
    %get3A_5 = arith.constant 0 : index
    %get3A_6 = arith.constant 0 : index
    %get3A_7 = arith.constant 0 : index
    %get3A_8 = vector.load %arg2[%get3A_5, %get3A_6, %get3A_7] : memref<1x16384x128xf32, #tpu.memory_space<vmem>>, vector<1x16384x128xf32>
    %get3A_9 = vector.shape_cast %get3A_8 : vector<1x16384x128xf32> to vector<16384x128xf32>
    %mul3A = arith.mulf %dot_general3A_4, %get3A_9 : vector<16384x128xf32>
    %eq3A_10 = arith.constant 0 : i32
    %eq3A_11 = arith.cmpi eq, %arg0, %eq3A_10 : i32
    %convert_element_type3A_12 = arith.extui %eq3A_11 : i1 to i32
    %cond3A = arith.constant 0 : i32
    %cond3A_13 = arith.cmpi ne, %convert_element_type3A_12, %cond3A : i32
    scf.if %cond3A_13 {
      %swap3A = arith.constant 0 : index
      %swap3A_18 = arith.constant 0 : index
      %swap3A_19 = vector.load %arg3[%swap3A, %swap3A_18] : memref<16384x128xf32, #tpu.memory_space<vmem>>, vector<16384x128xf32>
      tpu.vector_store %arg3[%swap3A, %swap3A_18], %mul3A {strides = array<i32>} : memref<16384x128xf32, #tpu.memory_space<vmem>>, vector<16384x128xf32>,
    } else {
    }
    %gt3A = arith.constant 0 : i32
    %gt3A_14 = arith.cmpi sgt, %arg0, %gt3A : i32
    %convert_element_type3A_15 = arith.extui %gt3A_14 : i1 to i32
    %cond3A_16 = arith.constant 0 : i32
    %cond3A_17 = arith.cmpi ne, %convert_element_type3A_15, %cond3A_16 : i32
    scf.if %cond3A_17 {
      %get3A_18 = arith.constant 0 : index
      %get3A_19 = arith.constant 0 : index
      %get3A_20 = vector.load %arg3[%get3A_18, %get3A_19] : memref<16384x128xf32, #tpu.memory_space<vmem>>, vector<16384x128xf32>
      %add3A = arith.addf %get3A_20, %mul3A : vector<16384x128xf32>
      %swap3A = arith.constant 0 : index
      %swap3A_21 = arith.constant 0 : index
      %swap3A_22 = vector.load %arg3[%swap3A, %swap3A_21] : memref<16384x128xf32, #tpu.memory_space<vmem>>, vector<16384x128xf32>
      tpu.vector_store %arg3[%swap3A, %swap3A_21], %add3A {strides = array<i32>} : memref<16384x128xf32, #tpu.memory_space<vmem>>, vector<16384x128xf32>,
    } else {
    }
    return
  }
  func.func @transform_0(%arg0: i32) -> (i32, i32) {
    %c0_i32 = arith.constant 0 : i32
    %c0_i32_0 = arith.constant 0 : i32
    %c0_i32_1 = arith.constant 0 : i32
    return %c0_i32, %c0_i32_0 : i32, i32
  }
  func.func @transform_1(%arg0: i32) -> (i32, i32, i32) {
    %c0_i32 = arith.constant 0 : i32
    %c0_i32_0 = arith.constant 0 : i32
    %c0_i32_1 = arith.constant 0 : i32
    return %arg0, %c0_i32, %c0_i32_0 : i32, i32, i32
  }
  func.func @transform_2(%arg0: i32) -> (i32, i32) {
    %c0_i32 = arith.constant 0 : i32
    %c0_i32_0 = arith.constant 0 : i32
    %c0_i32_1 = arith.constant 0 : i32
    return %c0_i32, %c0_i32_0 : i32, i32
  }
}

</mosaic_0001>

<sc_bundles>
// kernel: kernel.5.cloned.1.call-start
scs
__scs_entry_jumppad:
0x0: {  	(pc) =	sbr.rel $0x88, $3  }
0x1: {  	(tag) =	ssettag $0x0;
	lr =	simm.s32 $0x1  }
0x2: {  	[smem:$0x3F9E] =	sst lr;
	_ =	strace $0xD0000000  }
0x3: {  	_ = 	snop  }
0x4: {  	_ = 	snop  }
0x5: {  	_ = 	snop  }
0x6: {  	_ = 	snop  }
0x7: {  	_ = 	snop  }
__scs_overlays_trampoline_lowered:
0x8: {  	[smem:$0x3FAD] =	sst s0  }
0x9: {  	[smem:$0x3FAE] =	sst s1  }
0xa: {  	[smem:$0x3FAF] =	sst s2  }
0xb: {  	[smem:$0x3FB0] =	sst s3  }
0xc: {  	[smem:$0x3FB1] =	sst s4  }
0xd: {  	[smem:$0x3FB2] =	sst s5  }
0xe: {  	[smem:$0x3FB3] =	sst s6  }
0xf: {  	[smem:$0x3FB4] =	sst s7  }
0x10: {  	[smem:$0x3FB5] =	sst s8  }
0x11: {  	[smem:$0x3FB6] =	sst s9;
	s0 =	simm.s32 @!p0 $0x0  }
0x12: {  	s1 =	sld [smem:$0x3F9C];
	s0 =	simm.s32 @p0 $0x1  }
0x13: {  	[smem:$0x3FB7] =	sst s0;
	s0 =	simm.s32 @!p1 $0x0  }
0x14: {  	s2 =	sld [smem:$0x3F9B];
	s0 =	simm.s32 @p1 $0x1  }
0x15: {  	[smem:$0x3FB8] =	sst s0;
	s0 =	simm.s32 @!p2 $0x0  }
0x16: {  	s3 =	sld [smem:$0x3FDB];
	s0 =	simm.s32 @p2 $0x1  }
0x17: {  	s4 =	simm.s32 $0x1BF5;
	[smem:$0x3FBA] =	sst s0  }
0x18: {  	s0 =	sld [smem:$0x3F9D];
	_ =	swait.ge [sflag:s4], $0x0  }
0x19: {  	s7 =	sld [smem:$0x3F9E]  }
0x1a: {  	s8 =	sadd.s32 $0xFFFFE003, lr  }
0x1b: {  	s9 =	sadd.s32 $0xFFFFFEF7, lr;
	s5 =	simm.s32 $0xFFFFFFFF;
	p2 =	slt.u32 s8, $0xFFFFF086  }
0x1c: {  	p1 =	slt.u32 s9, $0xF7A;
	s5 =	simm.s32 @!p2 $0x0  }
0x1d: {  	s5 =	simm.s32 @p1 $0x1;
	p0 =	seq.s32 s7, s2  }
0x1e: {  	s7 =	smul.u32 @!p0 $0xF7A, s2;
	p2 =	seq.s32 @!p0 s5, $0x0  }
0x1f: {  	s9 =	smul.u32 $0xF7A, s1;
	s8 =	simm.s32 @!p0 $0x1BF5;
	p2 =	por !p2, p0  }
0x20: {  	[sflag:s8] =	ssyncset.s32 @!p0 $0xFFFFF086;
	s6 =	sadd.s32 @!p0 s3, s7;
	s7 =	simm.s32 @!p0 $0x108  }
0x21: {  	s3 =	sadd.s32 s3, s9;
	s6 =	sadd.s32 @!p0 $0x88, s6;
	s7 =	simm.s32 @p2 $0x1082  }
0x22: {  	[simem:s7], [sflag:s8] =	dma.local @!p0 [hbm:s6], $0xF7A  }
0x23: {  	s9 =	sor.u32 $0xD0000000, s2;
	s6 =	simm.s32 $0x108;
	_ =	swait.ge @!p0 [sflag:s8], $0x0  }
0x24: {  	s3 =	sadd.s32 $0x88, s3;
	s6 =	simm.s32 @!p1 $0x1082;
	[sflag:s4] =	ssyncset.s32 $0xFFFFF086  }
0x25: {  	[simem:s6], [sflag:s4] =	dma.local [hbm:s3], $0xF7A  }
0x26: {  	[smem:$0x3F9E] =	sst s1;
	(tag) =	ssettag s2;
	_ =	strace s9  }
0x27: {  	s1 =	sld [smem:$0x3FAE]  }
0x28: {  	s2 =	sld [smem:$0x3FAF]  }
0x29: {  	s4 =	sld [smem:$0x3FB1]  }
0x2a: {  	p0 =	seq.s32 s5, $0x0;
	s5 =	sld [smem:$0x3FB2]  }
0x2b: {  	s6 =	sld [smem:$0x3FB3]  }
0x2c: {  	s7 =	sld [smem:$0x3FB4]  }
0x2d: {  	s3 =	simm.s32 $0x108;
	s8 =	sld [smem:$0x3FB5]  }
0x2e: {  	s3 =	simm.s32 @!p0 $0x1082;
	s9 =	sld [smem:$0x3FB6]  }
0x2f: {  	lr =	sadd.s32 s0, s3;
	s0 =	sld [smem:$0x3FAD]  }
0x30: {  	s3 =	sld [smem:$0x3FB0]  }
0x31: {  	[smem:$0x3FB9] =	sst s10  }
0x32: {  	s10 =	sld [smem:$0x3FB7];
	_ =	sdelay $0x3  }
0x33: {  	p0 =	seq.s32 s10, $0x1;
	s10 =	sld [smem:$0x3FB9];
	_ =	sdelay $0x3  }
0x34: {  	[smem:$0x3FB9] =	sst s10  }
0x35: {  	s10 =	sld [smem:$0x3FB8];
	_ =	sdelay $0x3  }
0x36: {  	p1 =	seq.s32 s10, $0x1;
	s10 =	sld [smem:$0x3FB9];
	_ =	sdelay $0x3  }
0x37: {  	[smem:$0x3FB9] =	sst s10  }
0x38: {  	s10 =	sld [smem:$0x3FBA]  }
0x39: {  	_ = 	snop;
	(pc) =	sbr.ind lr, $3  }
0x3a: {  	_ = 	snop  }
0x3b: {  	_ = 	snop  }
0x3c: {  	p2 =	seq.s32 s10, $0x1;
	s10 =	sld [smem:$0x3FB9]  }
0x3d: {  	_ =	shalt  }
0x3e: {  	_ =	shalt  }
0x3f: {  	_ =	shalt  }
0x40: {  	_ =	shalt  }
0x41: {  	_ =	shalt  }
0x42: {  	_ =	shalt  }
0x43: {  	_ =	shalt  }
0x44: {  	_ =	shalt  }
0x45: {  	_ =	shalt  }
0x46: {  	_ =	shalt  }
0x47: {  	_ =	shalt  }
0x48: {  	_ =	shalt  }
0x49: {  	_ =	shalt  }
0x4a: {  	_ =	shalt  }
0x4b: {  	_ =	shalt  }
0x4c: {  	_ =	shalt  }
0x4d: {  	_ =	shalt  }
0x4e: {  	_ =	shalt  }
0x4f: {  	_ =	shalt  }
0x50: {  	_ =	shalt  }
0x51: {  	_ =	shalt  }
0x52: {  	_ =	shalt  }
0x53: {  	_ =	shalt  }
0x54: {  	_ =	shalt  }
0x55: {  	_ =	shalt  }
0x56: {  	_ =	shalt  }
0x57: {  	_ =	shalt  }
0x58: {  	_ =	shalt  }
0x59: {  	_ =	shalt  }
0x5a: {  	_ =	shalt  }
0x5b: {  	_ =	shalt  }
0x5c: {  	_ =	shalt  }
0x5d: {  	_ =	shalt  }
0x5e: {  	_ =	shalt  }
0x5f: {  	_ =	shalt  }
0x60: {  	_ =	shalt  }
0x61: {  	_ =	shalt  }
0x62: {  	_ =	shalt  }
0x63: {  	_ =	shalt  }
0x64: {  	_ =	shalt  }
0x65: {  	_ =	shalt  }
0x66: {  	_ =	shalt  }
0x67: {  	_ =	shalt  }
0x68: {  	_ =	shalt  }
0x69: {  	_ =	shalt  }
0x6a: {  	_ =	shalt  }
0x6b: {  	_ =	shalt  }
0x6c: {  	_ =	shalt  }
0x6d: {  	_ =	shalt  }
0x6e: {  	_ =	shalt  }
0x6f: {  	_ =	shalt  }
0x70: {  	_ =	shalt  }
0x71: {  	_ =	shalt  }
0x72: {  	_ =	shalt  }
0x73: {  	_ =	shalt  }
0x74: {  	_ =	shalt  }
0x75: {  	_ =	shalt  }
0x76: {  	_ =	shalt  }
0x77: {  	_ =	shalt  }
0x78: {  	_ =	shalt  }
0x79: {  	_ =	shalt  }
0x7a: {  	_ =	shalt  }
0x7b: {  	_ =	shalt  }
0x7c: {  	_ =	shalt  }
0x7d: {  	_ =	shalt  }
0x7e: {  	_ =	shalt  }
0x7f: {  	_ =	shalt  }
0x80: {  	_ =	shalt  }
0x81: {  	_ =	shalt  }
0x82: {  	_ =	shalt  }
0x83: {  	_ =	shalt  }
0x84: {  	_ =	shalt  }
0x85: {  	_ =	shalt  }
0x86: {  	_ =	shalt  }
0x87: {  	_ =	shalt  }
.Lfunc_end0:
.L_simem_size_0:
called_computation_lowered:
.L_overlay_start_0:
0x88: {  	s2 =	sld [smem:$0x3FD9]  }
0x89: {  	s3 =	sld [smem:$0x3FFE];
	_ =	sdelay $0x1  }
0x8a: {  	s1 =	srdreg.scid  }
0x8b: {  	s0 =	sand.u32 $0x1, s1  }
0x8c: {  	s14 =	sshll.u32 s0, $0xA;
	s2 =	sadd.s32 s3, s2  }
0x8d: {  	s2 =	sadd.s32 s2, s14  }
0x8e: {  	[smem:$0x3FC5] =	sst s2  }
0x8f: {  	_ = 	snop  }
0x90: {  	s2 =	sld [smem:$0x3FD0];
	_ =	sdelay $0x2  }
0x91: {  	s4 =	simm.s32 $0xA;
	s5 =	simm.s32 $0x10;
	s15 =	sld [smem:$0x3FC8]  }
0x92: {  	[smem:s5], [sflag:s4] =	dma.local [hbm:s2], $0x1  }
0x93: {  	_ =	swait.eq [sflag:s4], $0x1  }
0x94: {  	[sflag:s4] =	ssyncset.done $0x0  }
0x95: {  	[sflag:s4] =	ssyncadd.s32 $0xFFFFFFFF  }
0x96: {  	s16 =	sld [smem:$0x10];
	(tm) =	ssettm $0x1  }
0x97: {  	s17 =	sld [smem:$0x3FFB];
	_ =	sdelay $0x3  }
0x98: {  	_ =	strace s17  }
0x99: {  	s4 =	sld [smem:$0x3FFC];
	_ =	sdelay $0x3  }
0x9a: {  	_ =	strace s4  }
0x9b: {  	s4 =	sld [smem:$0x3FFD];
	_ =	sdelay $0x3  }
0x9c: {  	_ =	strace s4  }
0x9d: {  	_ =	strace $0x8FFFFFFF  }
0x9e: {  	s18 =	sld [smem:$0x3FDB];
	_ =	sdelay $0x1  }
0x9f: {  	s19 =	simm.s32 $_scs_section_size  }
0xa0: {  	s6 =	simm.s32 $_size__tile_overlayer_lowered;
	s7 =	simm.s32 $_tile_overlayer_lowered  }
0xa1: {  	s22 =	simm.s32 $0x1BFF;
	s21 =	sshll.u32 s7, $0x1;
	s4 =	sadd.s32 s19, s18  }
0xa2: {  	s8 =	simm.s32 $0x0;
	s20 =	sshll.u32 s6, $0x1;
	s6 =	sadd.s32 s21, s4  }
0xa3: {  	[timem:s8], [sflag:s22] =	dma.local [hbm:s6], s20  }
0xa4: {  	_ =	swait.ge [sflag:s22], s20  }
0xa5: {  	s5 =	ssub.s32 $0x0, s20;
	[sflag:s22] =	ssyncset.done $0x0  }
0xa6: {  	[sflag:s22] =	ssyncadd.s32 s5;
	_ =	sdelay $0x1  }
0xa7: {  	s23 =	simm.s32 $0x1B8B  }
0xa8: {  	_ =	swait.ge [sflag:s23], $0x1  }
0xa9: {  	[sflag:s23] =	ssyncset.done $0x0  }
0xaa: {  	s25 =	simm.s32 $0x1B8E;
	s24 =	sld [smem:$0x3FFE];
	[sflag:s23] =	ssyncadd.s32 $0xFFFFFFFF  }
0xab: {  	s26 =	simm.s32 $execute0_lowered;
	[smem:$0x3FD2] =	sst s25  }
0xac: {  	s6 =	sshll.u32 s26, $0x1;
	_ =	strace $0x80000046;
	[dreg:$0x1] =	wrdreg $0xFFFFFFFF  }
0xad: {  	s28 =	simm.s32 $_size_execute0_lowered;
	s4 =	sadd.s32 s4, s6;
	[dreg:$0x0] =	wrdreg $0x0  }
0xae: {  	s6 =	sshll.u32 s28, $0x1;
	[dreg:$0x2] =	wrdreg s4  }
0xaf: {  	[dreg:$0x3] =	wrdreg s6  }
0xb0: {  	[dreg:$0x4] =	wrdreg $0xC0  }
0xb1: {  	_ =	task [dreg:s8], $0x5FFFF  }
0xb2: {  	[dreg:$0x1] =	wrdreg $0xFFFFFFFF  }
0xb3: {  	[dreg:$0x0] =	wrdreg $0x60  }
0xb4: {  	[dreg:$0x2] =	wrdreg s24  }
0xb5: {  	[dreg:$0x3] =	wrdreg s15  }
0xb6: {  	[dreg:$0x4] =	wrdreg s16  }
0xb7: {  	[dreg:$0x5] =	wrdreg $0x9  }
0xb8: {  	_ =	task.clear_ibuf [dreg:s8], $0x6FFFF;
	_ =	strace $0x90000046  }
0xb9: {  	s29 =	simm.s32 $0x9;
	_ =	strace $0x80000048  }
0xba: {  	_ =	swait.ge [sflag:s29], $0x1  }
0xbb: {  	[sflag:s29] =	ssyncadd.s32 $0xFFFFFFFF  }
0xbc: {  	_ =	strace $0x90000048  }
0xbd: {  	_ =	sfence  }
0xbe: {  	s30 =	sld [smem:$0x0];
	_ =	sdelay $0x2  }
0xbf: {  	s31 =	sshll.u32 s1, $0xD;
	s1 =	sshrl.u32 s1, $0x2  }
0xc0: {  	s3 =	sand.u32 $0x4000, s31;
	s1 =	sadd.s32 s1, s30  }
0xc1: {  	s0 =	sor.u32 s3, s0;
	s1 =	sshll.u32 s1, $0x11  }
0xc2: {  	s0 =	sor.u32 s1, s0  }
0xc3: {  	s0 =	sadd.s32 $0x8F2B, s0  }
0xc4: {  	[sflag:s0] =	ssyncadd.remote.s32 $0x1  }
0xc5: {  	_ =	sfence.sel $0xFFFF  }
0xc6: {  	[dreg:$0x0] =	wrdreg $0xFFFFFFFF;
	(pc) =	sbr.abs _section_cstart, $3  }
0xc7: {  	[dreg:$0x1] =	wrdreg $0xFFFFFFFF  }
0xc8: {  	_ =	task.clear_ibuf [dreg:s8], $0x2FFFF;
	_ =	strace $0x9FFFFFFF  }
0xc9: {  	(tm) =	ssettm $0x7FFFFFFF  }
tec
execute0_lowered:
.L_overlay_start_1:
0x0: {  	(tag) =	ssettag $0x1  }
0x1: {  	s3 =	rddreg [dreg:$0x0]  }
0x2: {  	s4 =	rddreg [dreg:$0x1]  }
0x3: {  	s5 =	rddreg [dreg:$0x2]  }
0x4: {  	s0 =	rddreg [dreg:$0x3];
	s2 =	simm.s32 $0x0;
	s6 =	srdreg.scid  }
0x5: {  	s1 =	stileid.u32;
	s10 =	simm.s32 $0xE00;
	s11 =	simm.s32 $0x100  }
0x6: {  	s12 =	simm.s32 $0x1A00;
	s13 =	simm.s32 $0x180;
	s14 =	simm.s32 $0x2600  }
0x7: {  	s15 =	simm.s32 $0x1;
	s16 =	simm.s32 $0x3200;
	s17 =	simm.s32 $0x0  }
0x8: {  	v0 =	vlaneseq.u32;
	[smem:$0x7FF] =	sst s2;
	s6 =	sand.u32 $0x1, s6;
	s7 =	sshll.u32 s1, $0x3  }
0x9: {  	s3 =	sadd.s32 $0x600, s3;
	v1 =	vadd.s32 $0x4, v0;
	s8 =	sshll.u32 s6, $0x2;
	s6 =	ssub.s32 $0x2, s6  }
0xa: {  	v2 =	vor.u32 $0xC00, v0;
	v3 =	vadd.s32 $0xC04, v0;
	v4 =	vor.u32 $0x4000, v0;
	_ =	strace $0x80000047;
	s7 =	sor.u32 s8, s7;
	s31 =	sshrl.u32 s6, $0x1  }
0xb: {  	v5 =	vadd.s32 $0x4004, v0;
	v6 =	vor.u32 $0x1800, v0;
	v7 =	vadd.s32 $0x1804, v0;
	s8 =	simm.s32 $0x80;
	s9 =	sshll.u32 s7, $0x4;
	s7 =	sshll.u32 s7, $0xB  }
0xc: {  	v8 =	vor.u32 $0x8000, v0;
	v9 =	vadd.s32 $0x8004, v0;
	v10 =	vor.u32 $0x2400, v0;
	s6 =	ssub.s32 s6, s31;
	s4 =	sadd.s32 s4, s9;
	s5 =	sadd.s32 s5, s7  }
0xd: {  	v11 =	vadd.s32 $0x2404, v0;
	v12 =	vor.u32 $0xC000, v0;
	v13 =	vadd.s32 $0xC004, v0;
	s6 =	smax.u32 s6, $0x1;
	s7 =	simm.s32 $0x2;
	s9 =	simm.s32 $0x200  }
.LBB2_1:
0xe: {  	[tilespmem:s2], [sflag:$0x2] =	stream.linear.gather [hbm4b:s4+s2], $0x200, $0x38;
	[tilespmem:$0x13200] =	vst v63  }
0xf: {  	_ =	swait.ge [sflag:s7], $0x200  }
0x10: {  	[sflag:s7] =	ssyncset.done $0x0  }
0x11: {  	[sflag:s7] =	ssyncadd.s32 $0xFFFFFE00  }
0x12: {  	[tilespmem:s9], [sflag:$0x1] =	stream.indirect.gather [hbm4b:s3+s8], $0x14, s2, s8, $0xb8;
	[tilespmem:$0x13200] =	vst v63  }
0x13: {  	_ = 	snop  }
0x14: {  	[tilespmem:s10], [sflag:$0x1] =	stream.indirect.gather [hbm4b:s3+s8], $0x14, s8, s8, $0xb8;
	[tilespmem:$0x13200] =	vst v63  }
0x15: {  	_ = 	snop  }
0x16: {  	[tilespmem:s12], [sflag:$0x1] =	stream.indirect.gather [hbm4b:s3+s8], $0x14, s11, s8, $0xb8;
	[tilespmem:$0x13200] =	vst v63  }
0x17: {  	_ = 	snop  }
0x18: {  	[tilespmem:s14], [sflag:$0x1] =	stream.indirect.gather [hbm4b:s3+s8], $0x14, s13, s8, $0xb8;
	[tilespmem:$0x13200] =	vst v63  }
0x19: {  	_ =	swait.ge [sflag:s15], $0xA00  }
0x1a: {  	[sflag:s15] =	ssyncset.done $0x0  }
0x1b: {  	[sflag:s15] =	ssyncadd.s32 $0xFFFFF600  }
0x1c: {  	_ =	swait.ge [sflag:s15], $0xA00  }
0x1d: {  	v14 =	vmov s2;
	[sflag:s15] =	ssyncset.done $0x0  }
0x1e: {  	v15 =	vmul.u32 $0x18, v14;
	[sflag:s15] =	ssyncadd.s32 $0xFFFFF600  }
0x1f: {  	_ =	swait.ge [sflag:s15], $0xA00  }
0x20: {  	v16 =	vadd.s32 v0, v15;
	[sflag:s15] =	ssyncset.done $0x0  }
0x21: {  	v17 =	vadd.s32 v1, v15;
	[sflag:s15] =	ssyncadd.s32 $0xFFFFF600  }
0x22: {  	_ =	swait.ge [sflag:s15], $0xA00  }
0x23: {  	[sflag:s15] =	ssyncset.done $0x0  }
0x24: {  	v14 =	vshll.u32 v14, $0x7;
	[sflag:s15] =	ssyncadd.s32 $0xFFFFF600  }
0x25: {  	v18 =	vor.u32 v0, v14;
	v16 =	vld.idx.msk [tilespmem:v16+s9+$0x0], $0xffff  }
0x26: {  	v19 =	vor.u32 v1, v14;
	v17 =	vld.idx.msk [tilespmem:v17+s9+$0x0], $0xffff  }
0x27: {  	v20 =	vadd.s32 v2, v15  }
0x28: {  	v21 =	vadd.s32 v3, v15;
	_ =	sdelay $0x1  }
0x29: {  	[tilespmem:v18+s16+$0x0] =	vst.idx.msk $0xffff, v16  }
0x2a: {  	[tilespmem:v19+s16+$0x0] =	vst.idx.msk $0xffff, v17  }
0x2b: {  	v17 =	vor.u32 v4, v14;
	v16 =	vld.idx.msk [tilespmem:v20+s9+$0x0], $0xffff  }
0x2c: {  	v19 =	vor.u32 v5, v14;
	v18 =	vld.idx.msk [tilespmem:v21+s9+$0x0], $0xffff  }
0x2d: {  	v20 =	vadd.s32 v6, v15;
	_ =	sdelay $0x2  }
0x2e: {  	v62 =	vadd.s32 v7, v15;
	[tilespmem:v17+s16+$0x0] =	vst.idx.msk $0xffff, v16  }
0x2f: {  	[tilespmem:v19+s16+$0x0] =	vst.idx.msk $0xffff, v18  }
0x30: {  	v17 =	vor.u32 v8, v14;
	v16 =	vld.idx.msk [tilespmem:v20+s9+$0x0], $0xffff;
	_ =	sdelay $0x2  }
0x31: {  	v19 =	vor.u32 v9, v14;
	v18 =	vld.idx.msk [tilespmem:v62+s9+$0x0], $0xffff  }
0x32: {  	v20 =	vadd.s32 v10, v15  }
0x33: {  	[tilespmem:v17+s16+$0x0] =	vst.idx.msk $0xffff, v16;
	v16 =	vadd.s32 v11, v15;
	_ =	sdelay $0x1  }
0x34: {  	s18 =	simm.s32 $0x1  }
0x35: {  	v17 =	vmov s18;
	[tilespmem:v19+s16+$0x0] =	vst.idx.msk $0xffff, v18  }
0x36: {  	v63 =	vor.u32 v12, v14;
	v15 =	vmul.u32 $0x18, v17;
	v20 =	vld.idx.msk [tilespmem:v20+s9+$0x0], $0xffff  }
0x37: {  	v18 =	vor.u32 v13, v14;
	v16 =	vld.idx.msk [tilespmem:v16+s9+$0x0], $0xffff  }
0x38: {  	v19 =	vadd.s32 v0, v15  }
0x39: {  	v14 =	vshll.u32 v17, $0x7;
	v17 =	vadd.s32 v1, v15;
	_ =	sdelay $0x1  }
0x3a: {  	s18 =	simm.s32 $0x2;
	[tilespmem:v63+s16+$0x0] =	vst.idx.msk $0xffff, v20  }
.LBB2_2:
0x3b: {  	p0 =	sne.s32 s18, $0x7F;
	[tilespmem:v18+s16+$0x0] =	vst.idx.msk $0xffff, v16;
	s19 =	smov.u32 s18;
	s18 =	sadd.s32 $0x1, s18  }
0x3c: {  	v16 =	vld.idx.msk [tilespmem:v19+s9+$0x0], $0xffff  }
0x3d: {  	v18 =	vor.u32 v0, v14;
	v17 =	vld.idx.msk [tilespmem:v17+s9+$0x0], $0xffff  }
0x3e: {  	v19 =	vor.u32 v1, v14  }
0x3f: {  	v20 =	vadd.s32 v2, v15  }
0x40: {  	v21 =	vadd.s32 v3, v15;
	_ =	sdelay $0x1  }
0x41: {  	[tilespmem:v18+s16+$0x0] =	vst.idx.msk $0xffff, v16  }
0x42: {  	[tilespmem:v19+s16+$0x0] =	vst.idx.msk $0xffff, v17  }
0x43: {  	v16 =	vld.idx.msk [tilespmem:v20+s9+$0x0], $0xffff  }
0x44: {  	v18 =	vor.u32 v4, v14;
	v17 =	vld.idx.msk [tilespmem:v21+s9+$0x0], $0xffff  }
0x45: {  	v19 =	vor.u32 v5, v14  }
0x46: {  	v20 =	vadd.s32 v6, v15  }
0x47: {  	v21 =	vadd.s32 v7, v15;
	_ =	sdelay $0x1  }
0x48: {  	[tilespmem:v18+s16+$0x0] =	vst.idx.msk $0xffff, v16  }
0x49: {  	[tilespmem:v19+s16+$0x0] =	vst.idx.msk $0xffff, v17  }
0x4a: {  	v16 =	vld.idx.msk [tilespmem:v20+s9+$0x0], $0xffff  }
0x4b: {  	v18 =	vor.u32 v8, v14;
	v17 =	vld.idx.msk [tilespmem:v21+s9+$0x0], $0xffff  }
0x4c: {  	v19 =	vor.u32 v9, v14  }
0x4d: {  	v20 =	vadd.s32 v10, v15  }
0x4e: {  	v21 =	vadd.s32 v11, v15;
	_ =	sdelay $0x1  }
0x4f: {  	[tilespmem:v18+s16+$0x0] =	vst.idx.msk $0xffff, v16  }
0x50: {  	[tilespmem:v19+s16+$0x0] =	vst.idx.msk $0xffff, v17  }
0x51: {  	v16 =	vmov s19;
	v20 =	vld.idx.msk [tilespmem:v20+s9+$0x0], $0xffff  }
0x52: {  	v15 =	vmul.u32 $0x18, v16;
	v17 =	vshll.u32 v16, $0x7;
	v16 =	vld.idx.msk [tilespmem:v21+s9+$0x0], $0xffff;
	v21 =	vor.u32 v12, v14  }
.Ltmp0:
0x53: {  	v18 =	vor.u32 v13, v14;
	v14 =	vmov v17;
	(pc) =	sbr.rel @p0 .LBB2_2-.Ltmp0, $2  }
0x54: {  	v19 =	vadd.s32 v0, v15;
	v17 =	vadd.s32 v1, v15;
	_ =	sdelay $0x2  }
0x55: {  	[tilespmem:v21+s16+$0x0] =	vst.idx.msk $0xffff, v20  }
0x56: {  	_ =	sdelay $0x3  }
0x57: {  	[tilespmem:v18+s16+$0x0] =	vst.idx.msk $0xffff, v16  }
0x58: {  	v54 =	vor.u32 v0, v14;
	v16 =	vld.idx.msk [tilespmem:v19+s9+$0x0], $0xffff  }
0x59: {  	v55 =	vor.u32 v1, v14;
	v17 =	vld.idx.msk [tilespmem:v17+s9+$0x0], $0xffff  }
0x5a: {  	v20 =	vadd.s32 v2, v15  }
0x5b: {  	v21 =	vadd.s32 v3, v15;
	_ =	sdelay $0x1  }
0x5c: {  	[tilespmem:v54+s16+$0x0] =	vst.idx.msk $0xffff, v16  }
0x5d: {  	[tilespmem:v55+s16+$0x0] =	vst.idx.msk $0xffff, v17  }
0x5e: {  	v56 =	vor.u32 v4, v14;
	v16 =	vld.idx.msk [tilespmem:v20+s9+$0x0], $0xffff  }
0x5f: {  	v57 =	vor.u32 v5, v14;
	v18 =	vld.idx.msk [tilespmem:v21+s9+$0x0], $0xffff  }
0x60: {  	v58 =	vadd.s32 v6, v15  }
0x61: {  	v59 =	vadd.s32 v7, v15;
	_ =	sdelay $0x1  }
0x62: {  	[tilespmem:v56+s16+$0x0] =	vst.idx.msk $0xffff, v16  }
0x63: {  	[tilespmem:v57+s16+$0x0] =	vst.idx.msk $0xffff, v18  }
0x64: {  	v60 =	vor.u32 v8, v14;
	v16 =	vld.idx.msk [tilespmem:v58+s9+$0x0], $0xffff  }
0x65: {  	v61 =	vor.u32 v9, v14;
	v18 =	vld.idx.msk [tilespmem:v59+s9+$0x0], $0xffff  }
0x66: {  	v62 =	vadd.s32 v10, v15  }
0x67: {  	v15 =	vadd.s32 v11, v15;
	_ =	sdelay $0x1  }
0x68: {  	[tilespmem:v60+s16+$0x0] =	vst.idx.msk $0xffff, v16  }
0x69: {  	[tilespmem:v61+s16+$0x0] =	vst.idx.msk $0xffff, v18  }
0x6a: {  	v63 =	vor.u32 v12, v14;
	v16 =	vld.idx.msk [tilespmem:v62+s9+$0x0], $0xffff  }
0x6b: {  	v14 =	vor.u32 v13, v14;
	v15 =	vld.idx.msk [tilespmem:v15+s9+$0x0], $0xffff;
	_ =	sdelay $0x2  }
0x6c: {  	s17 =	sadd.s32 $0x1, s17  }
0x6d: {  	p0 =	sne.s32 s17, s6;
	[tilespmem:v63+s16+$0x0] =	vst.idx.msk $0xffff, v16  }
.Ltmp1:
0x6e: {  	[tilespmem:v14+s16+$0x0] =	vst.idx.msk $0xffff, v15;
	(pc) =	sbr.rel @p0 .LBB2_1-.Ltmp1, $4  }
0x6f: {  	[hbm4b:s5+s2] =	stream.linear.scatter [tilespmem:s16], [sflag:$0x2], $0x10000, $0x38;
	[tilespmem:$0x13200] =	vst v63  }
0x70: {  	_ =	swait.ge [sflag:s7], $0x10000  }
0x71: {  	[sflag:s7] =	ssyncset.done $0x0  }
0x72: {  	[sflag:s7] =	ssyncadd.s32 $0xFFFF0000  }
0x73: {  	_ =	sfence.sel $0x180000  }
0x74: {  	[bflag:$0x0] =	sbarrier.arrive $0xFFFF  }
0x75: {  	p0 =	sne.s32 s1, $0x0;
	_ =	strace $0x90000047  }
0x76: {  	s0 =	sadd.s32 @!p0 $0x100000, s0;
	[bflag:$0x2] =	sbarrier.arrive $0xFFFF  }
0x77: {  	[sflag:s0] =	ssyncadd.tile.s32 @!p0 $0x1;
	_ =	shalt  }
.Lfunc_end2:
_tile_overlayer_lowered:
.L_overlay_start_2:
0x78: {  	(tag) =	ssettag $0x2  }
0x79: {  	s0 =	rddreg [dreg:$0x0];
	s2 =	stileid.u32  }
0x7a: {  	s1 =	rddreg [dreg:$0x1];
	p0 =	sne.s32 s2, $0x0  }
0x7b: {  	s3 =	rddreg [dreg:$0x2];
	[bflag:$0x3] =	sbarrier.arrive $0xFFFF;
	s2 =	simm.s32 @!p0 $0x1C02  }
0x7c: {  	[timem:s3], [sflag:s2] =	dma.local @!p0 [hbm:s0], s1  }
0x7d: {  	s0 =	simm.s32 @!p0 $0x2  }
0x7e: {  	_ =	swait.ge @!p0 [sflag:s0], s1  }
0x7f: {  	s1 =	ssub.s32 @!p0 $0x0, s1;
	[sflag:s0] =	ssyncset.done @!p0 $0x0  }
0x80: {  	[sflag:s0] =	ssyncadd.s32 @!p0 s1  }
0x81: {  	[bflag:$0x3] =	sbarrier.arrive $0xFFFF  }
0x82: {  	_ =	shalt  }

</sc_bundles>
